<compile_context>
chip_gen: v7x
topology: tpu7x:2x2x1
jax: 0.10.2.dev20260603
libtpu: 0.0.44.dev20260713+nightly
codegen_flags: <defaults>
</compile_context>

<pallas_src>
import functools

import jax
import jax.numpy as jnp
from jax import lax
from jax.experimental import pallas as pl
from jax.experimental.pallas import tpu as pltpu
from jax.experimental.pallas import tpu_sc as plsc

EPS_ = 1e-06
N_ = 4096
D_ = 256
C_ = 128
BLK_ = 2048
GRID_ = N_ // BLK_


_SC_WORKERS = 16
_ROWS_PER_W = C_ // _SC_WORKERS


@functools.cache
def _make_sc_gather():
    mesh = plsc.VectorSubcoreMesh(core_axis_name="c", subcore_axis_name="s")

    @functools.partial(
        pl.kernel,
        mesh=mesh,
        out_type=jax.ShapeDtypeStruct((C_, D_), jnp.float32),
        scratch_types=[
            pltpu.VMEM((_ROWS_PER_W,), jnp.int32),
            pltpu.VMEM((_ROWS_PER_W, D_), jnp.float32),
            pltpu.SemaphoreType.DMA,
        ],
    )
    def sc_gather(table_hbm, idx_hbm, out_hbm, idx_v, rows_v, sem):
        wid = lax.axis_index("s") * 2 + lax.axis_index("c")

        @pl.when(wid < _SC_WORKERS)
        def _():
            base = wid * _ROWS_PER_W
            pltpu.sync_copy(idx_hbm.at[pl.ds(base, _ROWS_PER_W)], idx_v)
            pltpu.async_copy(table_hbm.at[idx_v], rows_v, sem).wait()
            pltpu.sync_copy(rows_v, out_hbm.at[pl.ds(base, _ROWS_PER_W)])

    return sc_gather



def _tc_body(f_ref, cf_ref, cid_ref, e_ref, y_ref, csq_ref, cs_ref):
    i = pl.program_id(0)
    f = f_ref[...]
    cf = cf_ref[...]
    cidf = cid_ref[...].astype(jnp.float32)

    dn = (((1,), (1,)), ((), ()))

    @pl.when(i == 0)
    def _():
        csq_ref[...] = jnp.sum(cf * cf, axis=1, keepdims=True).reshape(1, C_)
        cs_ref[...] = jnp.sum(cf, axis=1, keepdims=True).reshape(1, C_)
        e_ref[...] = jnp.zeros((1, 1), jnp.float32)

    csq = csq_ref[...]
    cs = cs_ref[...]
    sq = jnp.sum(f * f, axis=1, keepdims=True)
    s = jnp.sum(f, axis=1, keepdims=True)
    g = lax.dot_general(f, cf, dn,
                        preferred_element_type=jnp.float32)

    d2 = sq + csq - 2.0 * g + 2.0 * EPS_ * (s - cs) + D_ * EPS_ * EPS_
    dist = jnp.sqrt(jnp.maximum(d2, 0.0))

    m = jnp.min(dist, axis=1, keepdims=True)
    jidx = lax.broadcasted_iota(jnp.int32, (BLK_, C_), 1).astype(jnp.float32)
    pred = jnp.min(jnp.where(dist == m, jidx, float(C_)),
                   axis=1, keepdims=True)

    rowid = ((i * BLK_).astype(jnp.float32)
             + lax.broadcasted_iota(jnp.int32, (BLK_, 1), 0)
               .astype(jnp.float32))
    eq = cidf == rowid
    mask = jnp.max(jnp.where(eq, 1.0, 0.0), axis=1, keepdims=True)
    cvect = jnp.sum(jnp.where(eq, jidx, 0.0), axis=1, keepdims=True)

    y = (1.0 - mask) * pred + cvect
    y_ref[...] = y.reshape(1, BLK_ // 128, 128)

    e_blk = lax.dot_general(jnp.ones((1, BLK_), jnp.float32), m,
                            (((1,), (0,)), ((), ())),
                            preferred_element_type=jnp.float32)
    e_ref[...] = e_ref[...] - e_blk


_tc_call = pl.pallas_call(
    _tc_body,
    grid=(GRID_,),
    in_specs=[
        pl.BlockSpec((BLK_, D_), lambda i: (i, 0)),
        pl.BlockSpec((C_, D_), lambda i: (0, 0)),
        pl.BlockSpec((1, C_), lambda i: (0, 0)),
    ],
    out_specs=[
        pl.BlockSpec((1, 1), lambda i: (0, 0)),
        pl.BlockSpec((1, BLK_ // 128, 128), lambda i: (i, 0, 0)),
    ],
    out_shape=[
        jax.ShapeDtypeStruct((1, 1), jnp.float32),
        jax.ShapeDtypeStruct((GRID_, BLK_ // 128, 128), jnp.float32),
    ],
    scratch_shapes=[
        pltpu.VMEM((1, C_), jnp.float32),
        pltpu.VMEM((1, C_), jnp.float32),
    ],
    compiler_params=pltpu.CompilerParams(
        dimension_semantics=("arbitrary",),
    ),
)


def kernel(feature, centroid_ids):
    cfeat = _make_sc_gather()(feature, centroid_ids)
    e, y = _tc_call(feature, cfeat, centroid_ids.reshape(1, C_))
    return e.reshape(()), y.reshape(N_)

# --- scband reference (transcript-rebuilt; emitter-appended) ---
"""Pipeline reference for scband-clustering-loss-55817394979139 (READ-ONLY COPY).

The authoritative reference and input builder live on the scoring server;
editing this copy changes nothing except your own understanding.
"""

import jax, jax.numpy as jnp
import numpy as np

EPS = 1e-06
MARGIN = 1.0


def _pairwise_distance(feature):
    # Faithful to torch.nn.functional.pairwise_distance(x_i, x_j, p=2, eps=1e-6):
    # dist_ij = || x_i - x_j + eps ||_2
    # Expanded algebraically to avoid materializing the [N, N, d] diff tensor:
    # ||x - y + e||^2 = ||x||^2 + ||y||^2 - 2 x.y + 2e*(sum(x) - sum(y)) + d*e^2
    sq = jnp.sum(feature * feature, axis=1)
    s = jnp.sum(feature, axis=1)
    d = feature.shape[1]
    dist_sq = (
        sq[:, None]
        + sq[None, :]
        - 2.0 * (feature @ feature.T)
        + 2.0 * EPS * (s[:, None] - s[None, :])
        + d * EPS * EPS
    )
    return jnp.sqrt(jnp.maximum(dist_sq, 0.0))


def setup_inputs(seed: int = 0) -> dict:
    key = jax.random.key(seed)
    k1, k2 = jax.random.split(key)
    feature = jax.random.normal(k1, (4096, 256), dtype=jnp.float32)
    centroid_ids = jax.random.randint(k2, (128,), 0, 4096, dtype=jnp.int32)
    return {"feature": feature, "centroid_ids": centroid_ids}


def reference(feature, centroid_ids):
    pairwise_distances = _pairwise_distance(feature)
    batch_size = pairwise_distances.shape[0]
    num_centroids = centroid_ids.shape[0]

    # compute_facility_energy: gather centroid columns, min over centroids, negate sum
    gathered = pairwise_distances[:, centroid_ids]  # [N, C] == torch.gather(pd, 1, cid.repeat(N,1))
    facility_energy = -jnp.sum(jnp.min(gathered, axis=1))

    # get_cluster_assignment
    predictions = jnp.argmin(gathered, axis=1).astype(jnp.float32)
    mask = jnp.zeros((batch_size,), dtype=jnp.float32).at[centroid_ids].set(1.0)
    # a[centroid_ids[i], i] = 1; b[:, i] = i; constraint_vect = (a*b).T.sum(0)
    constraint_vect = jnp.zeros((batch_size,), dtype=jnp.float32).at[centroid_ids].add(
        jnp.arange(num_centroids, dtype=jnp.float32)
    )
    y_fixed = (1.0 - mask) * predictions + constraint_vect

    return facility_energy, y_fixed

if __name__ == "__main__":
    import jax
    _d = setup_inputs()
    print(jax.jit(kernel)(*tuple(_d.values())))

</pallas_src>

<mosaic_0001>
#map = affine_map<(d0, d1) -> (0, 0)>
#map1 = affine_map<(d0, d1) -> (0)>
module attributes {stable_mosaic.version = 14 : i64} {
  func.func @sc_gather(%arg0: i32, %arg1: i32, %arg2: memref<4096x256xf32, #tpu.memory_space<hbm>>, %arg3: memref<128xi32, #tpu.memory_space<hbm>>, %arg4: memref<128x256xf32, #tpu.memory_space<hbm>>, %arg5: memref<8xi32, #tpu.memory_space<vmem>>, %arg6: memref<8x256xf32, #tpu.memory_space<vmem>>, %arg7: memref<!tpu.dma_semaphore, #tpu.memory_space<semaphore_mem>>) attributes {dimension_semantics = [#tpu.dimension_semantics<core_parallel>, #tpu.dimension_semantics<subcore_parallel>], iteration_bounds = array<i64: 2, 16>, scalar_prefetch = 0 : i64, scratch_operands = 3 : i64, tpu.core_type = #tpu.core_type<sc_vector_subcore>, window_params = [{transform_indices = #map}, {transform_indices = #map1}, {transform_indices = #map}]} {
    %mul3A = arith.constant 2 : i32
    %mul3A_0 = arith.muli %arg1, %mul3A : i32
    %add3A = arith.addi %mul3A_0, %arg0 : i32
    %lt3A = arith.constant 16 : i32
    %lt3A_1 = arith.cmpi slt, %add3A, %lt3A : i32
    %convert_element_type3A = arith.extui %lt3A_1 : i1 to i32
    %cond3A = arith.constant 0 : i32
    %cond3A_2 = arith.cmpi ne, %convert_element_type3A, %cond3A : i32
    scf.if %cond3A_2 {
      %mul3A_3 = arith.constant 8 : i32
      %mul3A_4 = arith.muli %add3A, %mul3A_3 : i32
      "tpu.region"() ({
        %run_scoped3A = tpu.sem_alloc : memref<!tpu.dma_semaphore, #tpu.memory_space<semaphore_mem>>
        %dma_start3A_9 = tpu.memref_slice %arg3[%mul3A_4] : memref<128xi32, #tpu.memory_space<hbm>> -> memref<8xi32, #tpu.memory_space<hbm>>
        %dma_start3A_10 = tpu.memref_slice %arg3[%mul3A_4] : memref<128xi32, #tpu.memory_space<hbm>> -> memref<8xi32, #tpu.memory_space<hbm>>
        tpu.enqueue_dma source(%dma_start3A_10 : memref<8xi32, #tpu.memory_space<hbm>>) target(%arg5 : memref<8xi32, #tpu.memory_space<vmem>>) target_semaphore(%run_scoped3A : memref<!tpu.dma_semaphore, #tpu.memory_space<semaphore_mem>>)
        %dma_wait3A_11 = tpu.memref_slice %arg3[%mul3A_4] : memref<128xi32, #tpu.memory_space<hbm>> -> memref<8xi32, #tpu.memory_space<hbm>>
        %dma_wait3A_12 = tpu.memref_slice %arg3[%mul3A_4] : memref<128xi32, #tpu.memory_space<hbm>> -> memref<8xi32, #tpu.memory_space<hbm>>
        tpu.wait_dma2 semaphore(%run_scoped3A : memref<!tpu.dma_semaphore, #tpu.memory_space<semaphore_mem>>) src(%dma_wait3A_12 : memref<8xi32, #tpu.memory_space<hbm>>) dst(%arg5 : memref<8xi32, #tpu.memory_space<vmem>>)
        tpu.yield
      }) : () -> ()
      %dma_start3A = arith.constant 0 : i32
      %dma_start3A_5 = arith.constant 0 : i32
      %dma_start3A_6 = tpu.memref_slice %arg2[%dma_start3A, %dma_start3A_5] : memref<4096x256xf32, #tpu.memory_space<hbm>> -> memref<4096x256xf32, #tpu.memory_space<hbm>>
      tpu.enqueue_indirect_dma source(%dma_start3A_6 : memref<4096x256xf32, #tpu.memory_space<hbm>>) target(%arg6 : memref<8x256xf32, #tpu.memory_space<vmem>>) offsets(%arg5 : memref<8xi32, #tpu.memory_space<vmem>>) semaphore(%arg7 : memref<!tpu.dma_semaphore, #tpu.memory_space<semaphore_mem>>)
      %dma_wait3A = arith.constant 0 : i32
      %dma_wait3A_7 = arith.constant 0 : i32
      %dma_wait3A_8 = tpu.memref_slice %arg2[%dma_wait3A, %dma_wait3A_7] : memref<4096x256xf32, #tpu.memory_space<hbm>> -> memref<4096x256xf32, #tpu.memory_space<hbm>>
      tpu.wait_indirect_dma semaphore(%arg7 : memref<!tpu.dma_semaphore, #tpu.memory_space<semaphore_mem>>) src(%dma_wait3A_8 : memref<4096x256xf32, #tpu.memory_space<hbm>>) dst(%arg6 : memref<8x256xf32, #tpu.memory_space<vmem>>)
      "tpu.region"() ({
        %run_scoped3A = tpu.sem_alloc : memref<!tpu.dma_semaphore, #tpu.memory_space<semaphore_mem>>
        %dma_start3A_9 = arith.constant 0 : i32
        %dma_start3A_10 = tpu.memref_slice %arg4[%mul3A_4, %dma_start3A_9] : memref<128x256xf32, #tpu.memory_space<hbm>> -> memref<8x256xf32, #tpu.memory_space<hbm>>
        %dma_start3A_11 = arith.constant 0 : i32
        %dma_start3A_12 = tpu.memref_slice %arg4[%mul3A_4, %dma_start3A_11] : memref<128x256xf32, #tpu.memory_space<hbm>> -> memref<8x256xf32, #tpu.memory_space<hbm>>
        tpu.enqueue_dma source(%arg6 : memref<8x256xf32, #tpu.memory_space<vmem>>) target(%dma_start3A_12 : memref<8x256xf32, #tpu.memory_space<hbm>>) target_semaphore(%run_scoped3A : memref<!tpu.dma_semaphore, #tpu.memory_space<semaphore_mem>>)
        %dma_wait3A_13 = arith.constant 0 : i32
        %dma_wait3A_14 = tpu.memref_slice %arg4[%mul3A_4, %dma_wait3A_13] : memref<128x256xf32, #tpu.memory_space<hbm>> -> memref<8x256xf32, #tpu.memory_space<hbm>>
        %dma_wait3A_15 = arith.constant 0 : i32
        %dma_wait3A_16 = tpu.memref_slice %arg4[%mul3A_4, %dma_wait3A_15] : memref<128x256xf32, #tpu.memory_space<hbm>> -> memref<8x256xf32, #tpu.memory_space<hbm>>
        tpu.wait_dma2 semaphore(%run_scoped3A : memref<!tpu.dma_semaphore, #tpu.memory_space<semaphore_mem>>) src(%arg6 : memref<8x256xf32, #tpu.memory_space<vmem>>) dst(%dma_wait3A_16 : memref<8x256xf32, #tpu.memory_space<hbm>>)
        tpu.yield
      }) : () -> ()
    } else {
    }
    return
  }
}

module attributes {stable_mosaic.version = 14 : i64} {
  func.func @_tc_body(%arg0: i32, %arg1: memref<2048x256xf32, #tpu.memory_space<vmem>>, %arg2: memref<128x256xf32, #tpu.memory_space<vmem>>, %arg3: memref<1x128xi32, #tpu.memory_space<vmem>>, %arg4: memref<1x1xf32, #tpu.memory_space<vmem>>, %arg5: memref<1x16x128xf32, #tpu.memory_space<vmem>>, %arg6: memref<1x128xf32, #tpu.memory_space<vmem>>, %arg7: memref<1x128xf32, #tpu.memory_space<vmem>>) attributes {dimension_semantics = [#tpu.dimension_semantics<arbitrary>], iteration_bounds = array<i64: 2>, scalar_prefetch = 0 : i64, scratch_operands = 2 : i64, tpu.core_type = #tpu.core_type<tc>, window_params = [{transform_indices = @transform_0, window_bounds = array<i64: 2048, 256>}, {pipeline_mode = #tpu.pipeline_mode<synchronous>, transform_indices = @transform_1, window_bounds = array<i64: 128, 256>}, {pipeline_mode = #tpu.pipeline_mode<synchronous>, transform_indices = @transform_2, window_bounds = array<i64: 1, 128>}, {pipeline_mode = #tpu.pipeline_mode<synchronous>, transform_indices = @transform_3, window_bounds = array<i64: 1, 1>}, {transform_indices = @transform_4, window_bounds = array<i64: 1, 16, 128>}]} {
    %get3A = arith.constant 0 : index
    %get3A_0 = arith.constant 0 : index
    %get3A_1 = vector.load %arg1[%get3A, %get3A_0] : memref<2048x256xf32, #tpu.memory_space<vmem>>, vector<2048x256xf32>
    %get3A_2 = arith.constant 0 : index
    %get3A_3 = arith.constant 0 : index
    %get3A_4 = vector.load %arg2[%get3A_2, %get3A_3] : memref<128x256xf32, #tpu.memory_space<vmem>>, vector<128x256xf32>
    %get3A_5 = arith.constant 0 : index
    %get3A_6 = arith.constant 0 : index
    %get3A_7 = vector.load %arg3[%get3A_5, %get3A_6] : memref<1x128xi32, #tpu.memory_space<vmem>>, vector<1x128xi32>
    %convert_element_type3A = arith.sitofp %get3A_7 : vector<1x128xi32> to vector<1x128xf32>
    %eq3A = arith.constant 0 : i32
    %eq3A_8 = arith.cmpi eq, %arg0, %eq3A : i32
    %convert_element_type3A_9 = arith.extui %eq3A_8 : i1 to i32
    %cond3A = arith.constant 0 : i32
    %cond3A_10 = arith.cmpi ne, %convert_element_type3A_9, %cond3A : i32
    scf.if %cond3A_10 {
      %mul3A_90 = arith.mulf %get3A_4, %get3A_4 : vector<128x256xf32>
      %reduce_sum3A_91 = arith.constant dense<0.000000e+00> : vector<128xf32>
      %reduce_sum3A_92 = vector.multi_reduction <add>, %mul3A_90, %reduce_sum3A_91 [1] : vector<128x256xf32> to vector<128xf32>
      %broadcast_in_dim3A_93 = vector.shape_cast %reduce_sum3A_92 : vector<128xf32> to vector<128x1xf32>
      %reshape3A_94 = vector.shape_cast %broadcast_in_dim3A_93 : vector<128x1xf32> to vector<1x128xf32>
      %swap3A_95 = arith.constant 0 : index
      %swap3A_96 = arith.constant 0 : index
      %swap3A_97 = vector.load %arg6[%swap3A_95, %swap3A_96] : memref<1x128xf32, #tpu.memory_space<vmem>>, vector<1x128xf32>
      tpu.vector_store %arg6[%swap3A_95, %swap3A_96], %reshape3A_94 {strides = array<i32>} : memref<1x128xf32, #tpu.memory_space<vmem>>, vector<1x128xf32>,
      %reduce_sum3A_98 = arith.constant dense<0.000000e+00> : vector<128xf32>
      %reduce_sum3A_99 = vector.multi_reduction <add>, %get3A_4, %reduce_sum3A_98 [1] : vector<128x256xf32> to vector<128xf32>
      %broadcast_in_dim3A_100 = vector.shape_cast %reduce_sum3A_99 : vector<128xf32> to vector<128x1xf32>
      %reshape3A_101 = vector.shape_cast %broadcast_in_dim3A_100 : vector<128x1xf32> to vector<1x128xf32>
      %swap3A_102 = arith.constant 0 : index
      %swap3A_103 = arith.constant 0 : index
      %swap3A_104 = vector.load %arg7[%swap3A_102, %swap3A_103] : memref<1x128xf32, #tpu.memory_space<vmem>>, vector<1x128xf32>
      tpu.vector_store %arg7[%swap3A_102, %swap3A_103], %reshape3A_101 {strides = array<i32>} : memref<1x128xf32, #tpu.memory_space<vmem>>, vector<1x128xf32>,
      %broadcast_in_dim3A_105 = arith.constant 0.000000e+00 : f32
      %broadcast_in_dim3A_106 = vector.broadcast %broadcast_in_dim3A_105 : f32 to vector<1x1xf32>
      %swap3A_107 = arith.constant 0 : index
      %swap3A_108 = arith.constant 0 : index
      %swap3A_109 = vector.load %arg4[%swap3A_107, %swap3A_108] : memref<1x1xf32, #tpu.memory_space<vmem>>, vector<1x1xf32>
      tpu.vector_store %arg4[%swap3A_107, %swap3A_108], %broadcast_in_dim3A_106 {strides = array<i32>} : memref<1x1xf32, #tpu.memory_space<vmem>>, vector<1x1xf32>,
    } else {
    }
    %get3A_11 = arith.constant 0 : index
    %get3A_12 = arith.constant 0 : index
    %get3A_13 = vector.load %arg6[%get3A_11, %get3A_12] : memref<1x128xf32, #tpu.memory_space<vmem>>, vector<1x128xf32>
    %get3A_14 = arith.constant 0 : index
    %get3A_15 = arith.constant 0 : index
    %get3A_16 = vector.load %arg7[%get3A_14, %get3A_15] : memref<1x128xf32, #tpu.memory_space<vmem>>, vector<1x128xf32>
    %mul3A = arith.mulf %get3A_1, %get3A_1 : vector<2048x256xf32>
    %reduce_sum3A = arith.constant dense<0.000000e+00> : vector<2048xf32>
    %reduce_sum3A_17 = vector.multi_reduction <add>, %mul3A, %reduce_sum3A [1] : vector<2048x256xf32> to vector<2048xf32>
    %broadcast_in_dim3A = vector.shape_cast %reduce_sum3A_17 : vector<2048xf32> to vector<2048x1xf32>
    %reduce_sum3A_18 = arith.constant dense<0.000000e+00> : vector<2048xf32>
    %reduce_sum3A_19 = vector.multi_reduction <add>, %get3A_1, %reduce_sum3A_18 [1] : vector<2048x256xf32> to vector<2048xf32>
    %broadcast_in_dim3A_20 = vector.shape_cast %reduce_sum3A_19 : vector<2048xf32> to vector<2048x1xf32>
    %dot_general3A = arith.constant dense<0.000000e+00> : vector<2048x128xf32>
    %dot_general3A_21 = tpu.matmul %get3A_1, %get3A_4, %dot_general3A {dimension_numbers = #tpu.dot_dimension_numbers<[1], [1], [0], [0], [0, 0, 1, 0], [], []>, transpose_lhs_hint = false} : vector<2048x256xf32>, vector<128x256xf32>, vector<2048x128xf32> -> vector<2048x128xf32>
    %add3A = vector.broadcast %broadcast_in_dim3A : vector<2048x1xf32> to vector<2048x128xf32>
    %add3A_22 = vector.broadcast %get3A_13 : vector<1x128xf32> to vector<2048x128xf32>
    %add3A_23 = arith.addf %add3A, %add3A_22 : vector<2048x128xf32>
    %mul3A_24 = arith.constant 2.000000e+00 : f32
    %mul3A_25 = vector.broadcast %mul3A_24 : f32 to vector<2048x128xf32>
    %mul3A_26 = arith.mulf %mul3A_25, %dot_general3A_21 : vector<2048x128xf32>
    %sub3A = arith.subf %add3A_23, %mul3A_26 : vector<2048x128xf32>
    %sub3A_27 = vector.broadcast %broadcast_in_dim3A_20 : vector<2048x1xf32> to vector<2048x128xf32>
    %sub3A_28 = vector.broadcast %get3A_16 : vector<1x128xf32> to vector<2048x128xf32>
    %sub3A_29 = arith.subf %sub3A_27, %sub3A_28 : vector<2048x128xf32>
    %mul3A_30 = arith.constant 2.000000e-06 : f32
    %mul3A_31 = vector.broadcast %mul3A_30 : f32 to vector<2048x128xf32>
    %mul3A_32 = arith.mulf %mul3A_31, %sub3A_29 : vector<2048x128xf32>
    %add3A_33 = arith.addf %sub3A, %mul3A_32 : vector<2048x128xf32>
    %add3A_34 = arith.constant 2.560000e-10 : f32
    %add3A_35 = vector.broadcast %add3A_34 : f32 to vector<2048x128xf32>
    %add3A_36 = arith.addf %add3A_33, %add3A_35 : vector<2048x128xf32>
    %max3A = arith.constant 0.000000e+00 : f32
    %max3A_37 = vector.broadcast %max3A : f32 to vector<2048x128xf32>
    %max3A_38 = arith.maximumf %add3A_36, %max3A_37 : vector<2048x128xf32>
    %sqrt3A = math.sqrt %max3A_38 : vector<2048x128xf32>
    %reduce_min3A = arith.constant dense<0x7F800000> : vector<2048xf32>
    %reduce_min3A_39 = vector.multi_reduction <minimumf>, %sqrt3A, %reduce_min3A [1] : vector<2048x128xf32> to vector<2048xf32>
    %broadcast_in_dim3A_40 = vector.shape_cast %reduce_min3A_39 : vector<2048xf32> to vector<2048x1xf32>
    %iota3A = tpu.iota {dimensions = array<i32: 1>} : vector<2048x128xi32>
    %convert_element_type3A_41 = arith.sitofp %iota3A : vector<2048x128xi32> to vector<2048x128xf32>
    %eq3A_42 = vector.broadcast %broadcast_in_dim3A_40 : vector<2048x1xf32> to vector<2048x128xf32>
    %eq3A_43 = arith.cmpf oeq, %sqrt3A, %eq3A_42 : vector<2048x128xf32>
    %jit3A = arith.constant 1.280000e+02 : f32
    %broadcast_in_dim3A_44 = vector.broadcast %jit3A : f32 to vector<2048x128xf32>
    %select_n3A = arith.select %eq3A_43, %convert_element_type3A_41, %broadcast_in_dim3A_44 : vector<2048x128xi1>, vector<2048x128xf32>
    %reduce_min3A_45 = arith.constant dense<0x7F800000> : vector<2048xf32>
    %reduce_min3A_46 = vector.multi_reduction <minimumf>, %select_n3A, %reduce_min3A_45 [1] : vector<2048x128xf32> to vector<2048xf32>
    %broadcast_in_dim3A_47 = vector.shape_cast %reduce_min3A_46 : vector<2048xf32> to vector<2048x1xf32>
    %mul3A_48 = arith.constant 2048 : i32
    %mul3A_49 = arith.muli %arg0, %mul3A_48 : i32
    %convert_element_type3A_50 = arith.sitofp %mul3A_49 : i32 to f32
    %iota3A_51 = tpu.iota {dimensions = array<i32: 0>} : vector<2048x1xi32>
    %convert_element_type3A_52 = arith.sitofp %iota3A_51 : vector<2048x1xi32> to vector<2048x1xf32>
    %add3A_53 = vector.broadcast %convert_element_type3A_50 : f32 to vector<2048x1xf32>
    %add3A_54 = arith.addf %add3A_53, %convert_element_type3A_52 : vector<2048x1xf32>
    %eq3A_55 = vector.broadcast %convert_element_type3A : vector<1x128xf32> to vector<2048x128xf32>
    %eq3A_56 = vector.broadcast %add3A_54 : vector<2048x1xf32> to vector<2048x128xf32>
    %eq3A_57 = arith.cmpf oeq, %eq3A_55, %eq3A_56 : vector<2048x128xf32>
    %jit3A_58 = arith.constant 1.000000e+00 : f32
    %jit3A_59 = arith.constant 0.000000e+00 : f32
    %broadcast_in_dim3A_60 = vector.broadcast %jit3A_58 : f32 to vector<2048x128xf32>
    %broadcast_in_dim3A_61 = vector.broadcast %jit3A_59 : f32 to vector<2048x128xf32>
    %select_n3A_62 = arith.select %eq3A_57, %broadcast_in_dim3A_60, %broadcast_in_dim3A_61 : vector<2048x128xi1>, vector<2048x128xf32>
    %reduce_max3A = arith.constant dense<0xFF800000> : vector<2048xf32>
    %reduce_max3A_63 = vector.multi_reduction <maximumf>, %select_n3A_62, %reduce_max3A [1] : vector<2048x128xf32> to vector<2048xf32>
    %broadcast_in_dim3A_64 = vector.shape_cast %reduce_max3A_63 : vector<2048xf32> to vector<2048x1xf32>
    %jit3A_65 = arith.constant 0.000000e+00 : f32
    %broadcast_in_dim3A_66 = vector.broadcast %jit3A_65 : f32 to vector<2048x128xf32>
    %select_n3A_67 = arith.select %eq3A_57, %convert_element_type3A_41, %broadcast_in_dim3A_66 : vector<2048x128xi1>, vector<2048x128xf32>
    %reduce_sum3A_68 = arith.constant dense<0.000000e+00> : vector<2048xf32>
    %reduce_sum3A_69 = vector.multi_reduction <add>, %select_n3A_67, %reduce_sum3A_68 [1] : vector<2048x128xf32> to vector<2048xf32>
    %broadcast_in_dim3A_70 = vector.shape_cast %reduce_sum3A_69 : vector<2048xf32> to vector<2048x1xf32>
    %sub3A_71 = arith.constant 1.000000e+00 : f32
    %sub3A_72 = vector.broadcast %sub3A_71 : f32 to vector<2048x1xf32>
    %sub3A_73 = arith.subf %sub3A_72, %broadcast_in_dim3A_64 : vector<2048x1xf32>
    %mul3A_74 = arith.mulf %sub3A_73, %broadcast_in_dim3A_47 : vector<2048x1xf32>
    %add3A_75 = arith.addf %mul3A_74, %broadcast_in_dim3A_70 : vector<2048x1xf32>
    %reshape3A = vector.shape_cast %add3A_75 : vector<2048x1xf32> to vector<1x16x128xf32>
    %swap3A = arith.constant 0 : index
    %swap3A_76 = arith.constant 0 : index
    %swap3A_77 = arith.constant 0 : index
    %swap3A_78 = vector.load %arg5[%swap3A, %swap3A_76, %swap3A_77] : memref<1x16x128xf32, #tpu.memory_space<vmem>>, vector<1x16x128xf32>
    tpu.vector_store %arg5[%swap3A, %swap3A_76, %swap3A_77], %reshape3A {strides = array<i32>} : memref<1x16x128xf32, #tpu.memory_space<vmem>>, vector<1x16x128xf32>,
    %broadcast_in_dim3A_79 = arith.constant 1.000000e+00 : f32
    %broadcast_in_dim3A_80 = vector.broadcast %broadcast_in_dim3A_79 : f32 to vector<1x2048xf32>
    %dot_general3A_81 = arith.constant dense<0.000000e+00> : vector<1x1xf32>
    %dot_general3A_82 = tpu.matmul %broadcast_in_dim3A_80, %broadcast_in_dim3A_40, %dot_general3A_81 {dimension_numbers = #tpu.dot_dimension_numbers<[1], [0], [0], [1], [0, 0, 1, 1], [], []>, transpose_lhs_hint = false} : vector<1x2048xf32>, vector<2048x1xf32>, vector<1x1xf32> -> vector<1x1xf32>
    %get3A_83 = arith.constant 0 : index
    %get3A_84 = arith.constant 0 : index
    %get3A_85 = vector.load %arg4[%get3A_83, %get3A_84] : memref<1x1xf32, #tpu.memory_space<vmem>>, vector<1x1xf32>
    %sub3A_86 = arith.subf %get3A_85, %dot_general3A_82 : vector<1x1xf32>
    %swap3A_87 = arith.constant 0 : index
    %swap3A_88 = arith.constant 0 : index
    %swap3A_89 = vector.load %arg4[%swap3A_87, %swap3A_88] : memref<1x1xf32, #tpu.memory_space<vmem>>, vector<1x1xf32>
    tpu.vector_store %arg4[%swap3A_87, %swap3A_88], %sub3A_86 {strides = array<i32>} : memref<1x1xf32, #tpu.memory_space<vmem>>, vector<1x1xf32>,
    return
  }
  func.func @transform_0(%arg0: i32) -> (i32, i32) {
    %c0_i32 = arith.constant 0 : i32
    %c0_i32_0 = arith.constant 0 : i32
    return %arg0, %c0_i32 : i32, i32
  }
  func.func @transform_1(%arg0: i32) -> (i32, i32) {
    %c0_i32 = arith.constant 0 : i32
    %c0_i32_0 = arith.constant 0 : i32
    %c0_i32_1 = arith.constant 0 : i32
    return %c0_i32, %c0_i32_0 : i32, i32
  }
  func.func @transform_2(%arg0: i32) -> (i32, i32) {
    %c0_i32 = arith.constant 0 : i32
    %c0_i32_0 = arith.constant 0 : i32
    %c0_i32_1 = arith.constant 0 : i32
    return %c0_i32, %c0_i32_0 : i32, i32
  }
  func.func @transform_3(%arg0: i32) -> (i32, i32) {
    %c0_i32 = arith.constant 0 : i32
    %c0_i32_0 = arith.constant 0 : i32
    %c0_i32_1 = arith.constant 0 : i32
    return %c0_i32, %c0_i32_0 : i32, i32
  }
  func.func @transform_4(%arg0: i32) -> (i32, i32, i32) {
    %c0_i32 = arith.constant 0 : i32
    %c0_i32_0 = arith.constant 0 : i32
    %c0_i32_1 = arith.constant 0 : i32
    return %arg0, %c0_i32, %c0_i32_0 : i32, i32, i32
  }
}

</mosaic_0001>

<sc_bundles>
// kernel: kernel.4.cloned.1.call-start
scs
__scs_entry_jumppad:
0x0: {  	(pc) =	sbr.rel $0x88, $3  }
0x1: {  	(tag) =	ssettag $0x0;
	lr =	simm.s32 $0x1  }
0x2: {  	[smem:$0x3F9F] =	sst lr;
	_ =	strace $0xD0000000  }
0x3: {  	_ = 	snop  }
0x4: {  	_ = 	snop  }
0x5: {  	_ = 	snop  }
0x6: {  	_ = 	snop  }
0x7: {  	_ = 	snop  }
__scs_overlays_trampoline_lowered:
0x8: {  	[smem:$0x3FAE] =	sst s0  }
0x9: {  	[smem:$0x3FAF] =	sst s1  }
0xa: {  	[smem:$0x3FB0] =	sst s2  }
0xb: {  	[smem:$0x3FB1] =	sst s3  }
0xc: {  	[smem:$0x3FB2] =	sst s4  }
0xd: {  	[smem:$0x3FB3] =	sst s5  }
0xe: {  	[smem:$0x3FB4] =	sst s6  }
0xf: {  	[smem:$0x3FB5] =	sst s7  }
0x10: {  	[smem:$0x3FB6] =	sst s8  }
0x11: {  	[smem:$0x3FB7] =	sst s9;
	s0 =	simm.s32 @!p0 $0x0  }
0x12: {  	s1 =	sld [smem:$0x3F9D];
	s0 =	simm.s32 @p0 $0x1  }
0x13: {  	[smem:$0x3FB8] =	sst s0;
	s0 =	simm.s32 @!p1 $0x0  }
0x14: {  	s2 =	sld [smem:$0x3F9C];
	s0 =	simm.s32 @p1 $0x1  }
0x15: {  	[smem:$0x3FB9] =	sst s0;
	s0 =	simm.s32 @!p2 $0x0  }
0x16: {  	s3 =	sld [smem:$0x3FDB];
	s0 =	simm.s32 @p2 $0x1  }
0x17: {  	s4 =	simm.s32 $0x1BF5;
	[smem:$0x3FBB] =	sst s0  }
0x18: {  	s0 =	sld [smem:$0x3F9E];
	_ =	swait.ge [sflag:s4], $0x0  }
0x19: {  	s7 =	sld [smem:$0x3F9F]  }
0x1a: {  	s8 =	sadd.s32 $0xFFFFE003, lr  }
0x1b: {  	s9 =	sadd.s32 $0xFFFFFEF7, lr;
	s5 =	simm.s32 $0xFFFFFFFF;
	p2 =	slt.u32 s8, $0xFFFFF086  }
0x1c: {  	p1 =	slt.u32 s9, $0xF7A;
	s5 =	simm.s32 @!p2 $0x0  }
0x1d: {  	s5 =	simm.s32 @p1 $0x1;
	p0 =	seq.s32 s7, s2  }
0x1e: {  	s7 =	smul.u32 @!p0 $0xF7A, s2;
	p2 =	seq.s32 @!p0 s5, $0x0  }
0x1f: {  	s9 =	smul.u32 $0xF7A, s1;
	s8 =	simm.s32 @!p0 $0x1BF5;
	p2 =	por !p2, p0  }
0x20: {  	[sflag:s8] =	ssyncset.s32 @!p0 $0xFFFFF086;
	s6 =	sadd.s32 @!p0 s3, s7;
	s7 =	simm.s32 @!p0 $0x108  }
0x21: {  	s3 =	sadd.s32 s3, s9;
	s6 =	sadd.s32 @!p0 $0x88, s6;
	s7 =	simm.s32 @p2 $0x1082  }
0x22: {  	[simem:s7], [sflag:s8] =	dma.local @!p0 [hbm:s6], $0xF7A  }
0x23: {  	s9 =	sor.u32 $0xD0000000, s2;
	s6 =	simm.s32 $0x108;
	_ =	swait.ge @!p0 [sflag:s8], $0x0  }
0x24: {  	s3 =	sadd.s32 $0x88, s3;
	s6 =	simm.s32 @!p1 $0x1082;
	[sflag:s4] =	ssyncset.s32 $0xFFFFF086  }
0x25: {  	[simem:s6], [sflag:s4] =	dma.local [hbm:s3], $0xF7A  }
0x26: {  	[smem:$0x3F9F] =	sst s1;
	(tag) =	ssettag s2;
	_ =	strace s9  }
0x27: {  	s1 =	sld [smem:$0x3FAF]  }
0x28: {  	s2 =	sld [smem:$0x3FB0]  }
0x29: {  	s4 =	sld [smem:$0x3FB2]  }
0x2a: {  	p0 =	seq.s32 s5, $0x0;
	s5 =	sld [smem:$0x3FB3]  }
0x2b: {  	s6 =	sld [smem:$0x3FB4]  }
0x2c: {  	s7 =	sld [smem:$0x3FB5]  }
0x2d: {  	s3 =	simm.s32 $0x108;
	s8 =	sld [smem:$0x3FB6]  }
0x2e: {  	s3 =	simm.s32 @!p0 $0x1082;
	s9 =	sld [smem:$0x3FB7]  }
0x2f: {  	lr =	sadd.s32 s0, s3;
	s0 =	sld [smem:$0x3FAE]  }
0x30: {  	s3 =	sld [smem:$0x3FB1]  }
0x31: {  	[smem:$0x3FBA] =	sst s10  }
0x32: {  	s10 =	sld [smem:$0x3FB8];
	_ =	sdelay $0x3  }
0x33: {  	p0 =	seq.s32 s10, $0x1;
	s10 =	sld [smem:$0x3FBA];
	_ =	sdelay $0x3  }
0x34: {  	[smem:$0x3FBA] =	sst s10  }
0x35: {  	s10 =	sld [smem:$0x3FB9];
	_ =	sdelay $0x3  }
0x36: {  	p1 =	seq.s32 s10, $0x1;
	s10 =	sld [smem:$0x3FBA];
	_ =	sdelay $0x3  }
0x37: {  	[smem:$0x3FBA] =	sst s10  }
0x38: {  	s10 =	sld [smem:$0x3FBB]  }
0x39: {  	_ = 	snop;
	(pc) =	sbr.ind lr, $3  }
0x3a: {  	_ = 	snop  }
0x3b: {  	_ = 	snop  }
0x3c: {  	p2 =	seq.s32 s10, $0x1;
	s10 =	sld [smem:$0x3FBA]  }
0x3d: {  	_ =	shalt  }
0x3e: {  	_ =	shalt  }
0x3f: {  	_ =	shalt  }
0x40: {  	_ =	shalt  }
0x41: {  	_ =	shalt  }
0x42: {  	_ =	shalt  }
0x43: {  	_ =	shalt  }
0x44: {  	_ =	shalt  }
0x45: {  	_ =	shalt  }
0x46: {  	_ =	shalt  }
0x47: {  	_ =	shalt  }
0x48: {  	_ =	shalt  }
0x49: {  	_ =	shalt  }
0x4a: {  	_ =	shalt  }
0x4b: {  	_ =	shalt  }
0x4c: {  	_ =	shalt  }
0x4d: {  	_ =	shalt  }
0x4e: {  	_ =	shalt  }
0x4f: {  	_ =	shalt  }
0x50: {  	_ =	shalt  }
0x51: {  	_ =	shalt  }
0x52: {  	_ =	shalt  }
0x53: {  	_ =	shalt  }
0x54: {  	_ =	shalt  }
0x55: {  	_ =	shalt  }
0x56: {  	_ =	shalt  }
0x57: {  	_ =	shalt  }
0x58: {  	_ =	shalt  }
0x59: {  	_ =	shalt  }
0x5a: {  	_ =	shalt  }
0x5b: {  	_ =	shalt  }
0x5c: {  	_ =	shalt  }
0x5d: {  	_ =	shalt  }
0x5e: {  	_ =	shalt  }
0x5f: {  	_ =	shalt  }
0x60: {  	_ =	shalt  }
0x61: {  	_ =	shalt  }
0x62: {  	_ =	shalt  }
0x63: {  	_ =	shalt  }
0x64: {  	_ =	shalt  }
0x65: {  	_ =	shalt  }
0x66: {  	_ =	shalt  }
0x67: {  	_ =	shalt  }
0x68: {  	_ =	shalt  }
0x69: {  	_ =	shalt  }
0x6a: {  	_ =	shalt  }
0x6b: {  	_ =	shalt  }
0x6c: {  	_ =	shalt  }
0x6d: {  	_ =	shalt  }
0x6e: {  	_ =	shalt  }
0x6f: {  	_ =	shalt  }
0x70: {  	_ =	shalt  }
0x71: {  	_ =	shalt  }
0x72: {  	_ =	shalt  }
0x73: {  	_ =	shalt  }
0x74: {  	_ =	shalt  }
0x75: {  	_ =	shalt  }
0x76: {  	_ =	shalt  }
0x77: {  	_ =	shalt  }
0x78: {  	_ =	shalt  }
0x79: {  	_ =	shalt  }
0x7a: {  	_ =	shalt  }
0x7b: {  	_ =	shalt  }
0x7c: {  	_ =	shalt  }
0x7d: {  	_ =	shalt  }
0x7e: {  	_ =	shalt  }
0x7f: {  	_ =	shalt  }
0x80: {  	_ =	shalt  }
0x81: {  	_ =	shalt  }
0x82: {  	_ =	shalt  }
0x83: {  	_ =	shalt  }
0x84: {  	_ =	shalt  }
0x85: {  	_ =	shalt  }
0x86: {  	_ =	shalt  }
0x87: {  	_ =	shalt  }
.Lfunc_end0:
.L_simem_size_0:
called_computation_lowered:
.L_overlay_start_0:
0x88: {  	s2 =	sld [smem:$0x3FD9]  }
0x89: {  	s3 =	sld [smem:$0x3FFE];
	_ =	sdelay $0x1  }
0x8a: {  	s1 =	srdreg.scid  }
0x8b: {  	s0 =	sand.u32 $0x1, s1  }
0x8c: {  	s17 =	sshll.u32 s0, $0xA;
	s2 =	sadd.s32 s3, s2  }
0x8d: {  	s2 =	sadd.s32 s2, s17  }
0x8e: {  	[smem:$0x3FC6] =	sst s2  }
0x8f: {  	_ = 	snop  }
0x90: {  	s2 =	sld [smem:$0x3FC9]  }
0x91: {  	s18 =	sld [smem:$0x3FC8];
	(tm) =	ssettm $0x1  }
0x92: {  	s4 =	sld [smem:$0x3FFB];
	_ =	sdelay $0x3  }
0x93: {  	_ =	strace s4  }
0x94: {  	s4 =	sld [smem:$0x3FFC];
	_ =	sdelay $0x3  }
0x95: {  	_ =	strace s4  }
0x96: {  	s4 =	sld [smem:$0x3FFD];
	_ =	sdelay $0x3  }
0x97: {  	_ =	strace s4  }
0x98: {  	_ =	strace $0x8FFFFFFF  }
0x99: {  	s19 =	sld [smem:$0x3FDB];
	_ =	sdelay $0x1  }
0x9a: {  	s5 =	simm.s32 $_scs_section_size  }
0x9b: {  	s6 =	simm.s32 $_size__tile_overlayer_lowered;
	s7 =	simm.s32 $_tile_overlayer_lowered  }
0x9c: {  	s22 =	simm.s32 $0x1BFF;
	s21 =	sshll.u32 s7, $0x1;
	s4 =	sadd.s32 s5, s19  }
0x9d: {  	s8 =	simm.s32 $0x0;
	s20 =	sshll.u32 s6, $0x1;
	s6 =	sadd.s32 s21, s4  }
0x9e: {  	[timem:s8], [sflag:s22] =	dma.local [hbm:s6], s20  }
0x9f: {  	_ =	swait.ge [sflag:s22], s20  }
0xa0: {  	s5 =	ssub.s32 $0x0, s20;
	[sflag:s22] =	ssyncset.done $0x0  }
0xa1: {  	[sflag:s22] =	ssyncadd.s32 s5;
	_ =	sdelay $0x1  }
0xa2: {  	s23 =	simm.s32 $0x1B8B  }
0xa3: {  	_ =	swait.ge [sflag:s23], $0x1  }
0xa4: {  	[sflag:s23] =	ssyncset.done $0x0  }
0xa5: {  	s25 =	simm.s32 $0x1B8E;
	s24 =	sld [smem:$0x3FFE];
	[sflag:s23] =	ssyncadd.s32 $0xFFFFFFFF  }
0xa6: {  	s26 =	simm.s32 $execute0_lowered;
	[smem:$0x3FD2] =	sst s25  }
0xa7: {  	s6 =	sshll.u32 s26, $0x1;
	_ =	strace $0x80000046;
	[dreg:$0x1] =	wrdreg $0xFFFFFFFF  }
0xa8: {  	s28 =	simm.s32 $_size_execute0_lowered;
	s4 =	sadd.s32 s4, s6;
	[dreg:$0x0] =	wrdreg $0x0  }
0xa9: {  	s6 =	sshll.u32 s28, $0x1;
	[dreg:$0x2] =	wrdreg s4  }
0xaa: {  	[dreg:$0x3] =	wrdreg s6  }
0xab: {  	[dreg:$0x4] =	wrdreg $0xC0  }
0xac: {  	_ =	task [dreg:s8], $0x5FFFF  }
0xad: {  	[dreg:$0x1] =	wrdreg $0xFFFFFFFF  }
0xae: {  	[dreg:$0x0] =	wrdreg $0x60  }
0xaf: {  	[dreg:$0x2] =	wrdreg s2  }
0xb0: {  	[dreg:$0x3] =	wrdreg s18  }
0xb1: {  	[dreg:$0x4] =	wrdreg s24  }
0xb2: {  	[dreg:$0x5] =	wrdreg $0x9  }
0xb3: {  	_ =	task.clear_ibuf [dreg:s8], $0x6FFFF;
	_ =	strace $0x90000046  }
0xb4: {  	s29 =	simm.s32 $0x9;
	_ =	strace $0x80000048  }
0xb5: {  	_ =	swait.ge [sflag:s29], $0x1  }
0xb6: {  	[sflag:s29] =	ssyncadd.s32 $0xFFFFFFFF  }
0xb7: {  	_ =	strace $0x90000048  }
0xb8: {  	_ =	sfence  }
0xb9: {  	s30 =	sld [smem:$0x0];
	_ =	sdelay $0x2  }
0xba: {  	s31 =	sshll.u32 s1, $0xD;
	s1 =	sshrl.u32 s1, $0x2  }
0xbb: {  	s3 =	sand.u32 $0x4000, s31;
	s1 =	sadd.s32 s1, s30  }
0xbc: {  	s0 =	sor.u32 s3, s0;
	s1 =	sshll.u32 s1, $0x11  }
0xbd: {  	s0 =	sor.u32 s1, s0  }
0xbe: {  	s0 =	sadd.s32 $0x8F2B, s0  }
0xbf: {  	[sflag:s0] =	ssyncadd.remote.s32 $0x1  }
0xc0: {  	_ =	sfence.sel $0xFFFF  }
0xc1: {  	[dreg:$0x0] =	wrdreg $0xFFFFFFFF;
	(pc) =	sbr.abs _section_cstart, $3  }
0xc2: {  	[dreg:$0x1] =	wrdreg $0xFFFFFFFF  }
0xc3: {  	_ =	task.clear_ibuf [dreg:s8], $0x2FFFF;
	_ =	strace $0x9FFFFFFF  }
0xc4: {  	(tm) =	ssettm $0x7FFFFFFF  }
0xc5: {  	_ =	shalt  }
tec
execute0_lowered:
.L_overlay_start_1:
0x0: {  	(tag) =	ssettag $0x1  }
0x1: {  	s1 =	stileid.u32  }
0x2: {  	p0 =	sgt.u32 s1, $0x7  }
.Ltmp0:
0x3: {  	s2 =	rddreg [dreg:$0x0];
	(pc) =	sbr.rel @p0 .LBB2_4-.Ltmp0, $4  }
0x4: {  	s4 =	rddreg [dreg:$0x1]  }
0x5: {  	s8 =	rddreg [dreg:$0x2];
	s3 =	simm.s32 $0x0  }
0x6: {  	[smem:$0x7FF] =	sst s3  }
0x7: {  	s0 =	rddreg [dreg:$0x3];
	_ =	strace $0x80000047  }
0x8: {  	s5 =	srdreg.scid  }
0x9: {  	s30 =	sshll.u32 s1, $0x1;
	s6 =	sand.u32 $0x1, s5  }
0xa: {  	s9 =	sor.u32 s6, s30  }
0xb: {  	s5 =	sadd.s32 s4, s9;
	s4 =	simm.s32 $0x2  }
0xc: {  	[tilespmem:s3], [sflag:$0x2] =	stream.linear.gather [hbm4b:s5+s3], $0x8, $0x38;
	[tilespmem:$0x880] =	vst v63  }
0xd: {  	_ =	swait.ge [sflag:s4], $0x8  }
0xe: {  	[sflag:s4] =	ssyncset.done $0x0  }
0xf: {  	[sflag:s4] =	ssyncadd.s32 $0xFFFFFFF8  }
0x10: {  	v0 =	vld.msk [tilespmem:$0x0], $0xff;
	_ =	sdelay $0x4  }
0x11: {  	v1 =	vshll.u32 v0, $0x1  }
0x12: {  	v2 =	vlaneseq.u32;
	v3 =	vand.u32 $0x7, v0;
	v1 =	vand.u32 $0xFFFFFFF0, v1  }
0x13: {  	v0 =	vand.u32 $0x7, v2;
	v2 =	vshrl.u32 v2, $0x3;
	v3 =	vor.u32 v3, v1  }
0x14: {  	v1 =	vmul.u32 $0x8, v2;
	v2 =	vperm.xlane v3, v0;
	_ =	sdelay $0x1  }
0x15: {  	v2 =	vadd.s32 v1, v2  }
0x16: {  	s10 =	ssub.s32 $0x2, s6  }
0x17: {  	s11 =	sshrl.u32 s10, $0x1  }
0x18: {  	s7 =	simm.s32 $0x1;
	s9 =	sshll.u32 s9, $0x8;
	s31 =	ssub.s32 s10, s11  }
0x19: {  	vm0 =	vmmov $0xffff;
	s6 =	simm.s32 $0x80;
	s8 =	sadd.s32 s9, s8;
	s9 =	smax.u32 s31, $0x1  }
0x1a: {  	[tilespmem:s6], [sflag:$0x1] =	stream.indirect_vreg.gather [hbm4b:s2+s3], $0x80, v2, vm0, $0xb8;
	[tilespmem:$0x880] =	vst v63  }
0x1b: {  	p0 =	sne.s32 s9, $0x1;
	_ =	swait.ge [sflag:s7], $0x800  }
.Ltmp1:
0x1c: {  	[sflag:s7] =	ssyncset.done $0x0;
	(pc) =	sbr.rel @!p0 .LBB2_3-.Ltmp1, $4  }
0x1d: {  	s8 =	sadd.s32 $0xC00, s8;
	[sflag:s7] =	ssyncadd.s32 $0xFFFFF800  }
0x1e: {  	[hbm4b:s8+s3] =	stream.linear.scatter [tilespmem:s6], [sflag:$0x2], $0x800, $0x38;
	[tilespmem:$0x880] =	vst v63  }
0x1f: {  	_ =	swait.ge [sflag:s4], $0x800  }
0x20: {  	s9 =	sadd.s32 $0xFFFFFFFF, s9;
	[sflag:s4] =	ssyncset.done $0x0  }
.LBB2_2:
0x21: {  	p0 =	sne.s32 s9, $0x1;
	s9 =	sadd.s32 $0xFFFFFFFF, s9;
	[sflag:s4] =	ssyncadd.s32 $0xFFFFF800  }
0x22: {  	[tilespmem:s3], [sflag:$0x2] =	stream.linear.gather [hbm4b:s5+s3], $0x8, $0x38;
	[tilespmem:$0x880] =	vst v63  }
0x23: {  	_ =	swait.ge [sflag:s4], $0x8  }
0x24: {  	[sflag:s4] =	ssyncset.done $0x0  }
0x25: {  	[sflag:s4] =	ssyncadd.s32 $0xFFFFFFF8  }
0x26: {  	v2 =	vld.msk [tilespmem:$0x0], $0xff;
	_ =	sdelay $0x4  }
0x27: {  	v3 =	vshll.u32 v2, $0x1  }
0x28: {  	v2 =	vand.u32 $0x7, v2;
	v3 =	vand.u32 $0xFFFFFFF0, v3  }
0x29: {  	v2 =	vor.u32 v2, v3  }
0x2a: {  	v2 =	vperm.xlane v2, v0;
	_ =	sdelay $0x1  }
0x2b: {  	v2 =	vadd.s32 v1, v2;
	_ =	sdelay $0x4  }
0x2c: {  	[tilespmem:s6], [sflag:$0x1] =	stream.indirect_vreg.gather [hbm4b:s2+s3], $0x80, v2, vm0, $0xb8;
	[tilespmem:$0x880] =	vst v63  }
0x2d: {  	_ =	swait.ge [sflag:s7], $0x800  }
.Ltmp2:
0x2e: {  	[sflag:s7] =	ssyncset.done $0x0;
	(pc) =	sbr.rel @p0 .LBB2_2-.Ltmp2, $4  }
0x2f: {  	[sflag:s7] =	ssyncadd.s32 $0xFFFFF800  }
0x30: {  	[hbm4b:s8+s3] =	stream.linear.scatter [tilespmem:s6], [sflag:$0x2], $0x800, $0x38;
	[tilespmem:$0x880] =	vst v63  }
0x31: {  	_ =	swait.ge [sflag:s4], $0x800  }
0x32: {  	[sflag:s4] =	ssyncset.done $0x0  }
.LBB2_3:
0x33: {  	[sflag:s4] =	ssyncadd.s32 $0xFFFFF800  }
.LBB2_4:
0x34: {  	_ =	sfence.sel $0x180000  }
0x35: {  	[bflag:$0x0] =	sbarrier.arrive $0xFFFF  }
0x36: {  	p0 =	sne.s32 s1, $0x0;
	_ =	strace $0x90000047  }
0x37: {  	s0 =	sadd.s32 @!p0 $0x100000, s0;
	[bflag:$0x2] =	sbarrier.arrive $0xFFFF  }
0x38: {  	[sflag:s0] =	ssyncadd.tile.s32 @!p0 $0x1;
	_ =	shalt  }
.Lfunc_end2:
_tile_overlayer_lowered:
.L_overlay_start_2:
0x39: {  	(tag) =	ssettag $0x2  }
0x3a: {  	s0 =	rddreg [dreg:$0x0];
	s2 =	stileid.u32  }
0x3b: {  	s1 =	rddreg [dreg:$0x1];
	p0 =	sne.s32 s2, $0x0  }
0x3c: {  	s3 =	rddreg [dreg:$0x2];
	[bflag:$0x3] =	sbarrier.arrive $0xFFFF;
	s2 =	simm.s32 @!p0 $0x1C02  }
0x3d: {  	[timem:s3], [sflag:s2] =	dma.local @!p0 [hbm:s0], s1  }
0x3e: {  	s0 =	simm.s32 @!p0 $0x2  }
0x3f: {  	_ =	swait.ge @!p0 [sflag:s0], s1  }
0x40: {  	s1 =	ssub.s32 @!p0 $0x0, s1;
	[sflag:s0] =	ssyncset.done @!p0 $0x0  }
0x41: {  	[sflag:s0] =	ssyncadd.s32 @!p0 s1  }
0x42: {  	[bflag:$0x3] =	sbarrier.arrive $0xFFFF  }
0x43: {  	_ =	shalt  }

</sc_bundles>
